<compile_context>
chip_gen: v7x
topology: tpu7x:2x2x1
jax: 0.10.2.dev20260603
libtpu: 0.0.44.dev20260713+nightly
codegen_flags: <defaults>
</compile_context>

<pallas_src>
import functools

import jax
import jax.numpy as jnp
from jax import lax
from jax.experimental import pallas as pl
from jax.experimental.pallas import tpu as pltpu
from jax.experimental.pallas import tpu_sc as plsc

_NW = 32
_BUF = 64
_ROWS = 8192
_D = 1024
_PER_W = _ROWS // _NW


def _make_sc_kernel():
    mesh = plsc.VectorSubcoreMesh(core_axis_name="c", subcore_axis_name="s")

    @functools.partial(
        pl.kernel,
        mesh=mesh,
        out_type=jax.ShapeDtypeStruct((_ROWS, _D), jnp.float32),
        scratch_types=[
            pltpu.VMEM((_BUF,), jnp.int32),
            pltpu.VMEM((_BUF, _D), jnp.float32),
            pltpu.SemaphoreType.DMA,
        ],
    )
    def sc_broadcast(table_hbm, idx_hbm, out_hbm, idx_v, buf, sem):
        wid = lax.axis_index("s") * 2 + lax.axis_index("c")
        base = wid * _PER_W
        pltpu.sync_copy(idx_hbm, idx_v)
        pltpu.async_copy(table_hbm.at[idx_v], buf, sem).wait()
        cps = [
            pltpu.async_copy(buf, out_hbm.at[pl.ds(base + j * _BUF, _BUF)], sem)
            for j in range(_PER_W // _BUF)
        ]
        for c in cps:
            c.wait()

    return sc_broadcast


_sc_kernel = _make_sc_kernel()


def kernel(inputs, num_particle, lookup_table):
    B, T, D = inputs.shape
    idx = jnp.full((_BUF,), jnp.asarray(num_particle, jnp.int32), dtype=jnp.int32)
    out = _sc_kernel(lookup_table, idx)
    return out.reshape(B, T, D)

# --- scband reference (transcript-rebuilt; emitter-appended) ---
"""Pipeline reference for scband-system-encoding-59700045414408 (READ-ONLY COPY).

The authoritative reference and input builder live on the scoring server;
editing this copy changes nothing except your own understanding.
"""

import jax, jax.numpy as jnp
import numpy as np

MAX_PARTICLE = 100000
NUM_UNITS = 1024
B, T, D = 4, 2048, 1024


def setup_inputs(seed: int = 0) -> dict:
    key = jax.random.key(seed)
    k1, k2 = jax.random.split(key)
    inputs = jax.random.normal(k1, (B, T, D), dtype=jnp.float32)
    # xavier normal init for lookup table of shape (max_particle+1, num_units)
    fan_in, fan_out = MAX_PARTICLE + 1, NUM_UNITS
    std = float(np.sqrt(2.0 / (fan_in + fan_out)))
    lookup_table = jax.random.normal(k2, (MAX_PARTICLE + 1, NUM_UNITS), dtype=jnp.float32) * std
    num_particle = 777
    return {"inputs": inputs, "num_particle": num_particle, "lookup_table": lookup_table}


def reference(inputs, num_particle, lookup_table):
    batch_size, steps = inputs.shape[0], inputs.shape[1]
    base = jnp.array([num_particle], dtype=jnp.int32)
    out = jnp.take(lookup_table, base, axis=0)  # (1, num_units)
    # torch .repeat(batch_size, steps, 1) on a (1, num_units) tensor -> (batch_size, steps, num_units)
    out = jnp.tile(out.reshape(1, 1, -1), (batch_size, steps, 1))
    return out

if __name__ == "__main__":
    import jax
    _d = setup_inputs()
    print(jax.jit(kernel)(*tuple(_d.values())))

</pallas_src>

<mosaic_0001>
#map = affine_map<(d0, d1) -> (0, 0)>
#map1 = affine_map<(d0, d1) -> (0)>
module attributes {stable_mosaic.version = 14 : i64} {
  func.func @sc_broadcast(%arg0: i32, %arg1: i32, %arg2: memref<100001x1024xf32, #tpu.memory_space<hbm>>, %arg3: memref<64xi32, #tpu.memory_space<hbm>>, %arg4: memref<8192x1024xf32, #tpu.memory_space<hbm>>, %arg5: memref<64xi32, #tpu.memory_space<vmem>>, %arg6: memref<64x1024xf32, #tpu.memory_space<vmem>>, %arg7: memref<!tpu.dma_semaphore, #tpu.memory_space<semaphore_mem>>) attributes {dimension_semantics = [#tpu.dimension_semantics<core_parallel>, #tpu.dimension_semantics<subcore_parallel>], iteration_bounds = array<i64: 2, 16>, scalar_prefetch = 0 : i64, scratch_operands = 3 : i64, tpu.core_type = #tpu.core_type<sc_vector_subcore>, window_params = [{transform_indices = #map}, {transform_indices = #map1}, {transform_indices = #map}]} {
    %mul3A = arith.constant 2 : i32
    %mul3A_0 = arith.muli %arg1, %mul3A : i32
    %add3A = arith.addi %mul3A_0, %arg0 : i32
    %mul3A_1 = arith.constant 256 : i32
    %mul3A_2 = arith.muli %add3A, %mul3A_1 : i32
    "tpu.region"() ({
      %run_scoped3A = tpu.sem_alloc : memref<!tpu.dma_semaphore, #tpu.memory_space<semaphore_mem>>
      tpu.enqueue_dma source(%arg3 : memref<64xi32, #tpu.memory_space<hbm>>) target(%arg5 : memref<64xi32, #tpu.memory_space<vmem>>) target_semaphore(%run_scoped3A : memref<!tpu.dma_semaphore, #tpu.memory_space<semaphore_mem>>)
      tpu.wait_dma2 semaphore(%run_scoped3A : memref<!tpu.dma_semaphore, #tpu.memory_space<semaphore_mem>>) src(%arg3 : memref<64xi32, #tpu.memory_space<hbm>>) dst(%arg5 : memref<64xi32, #tpu.memory_space<vmem>>)
      tpu.yield
    }) : () -> ()
    %dma_start3A = arith.constant 0 : i32
    %dma_start3A_3 = arith.constant 0 : i32
    %dma_start3A_4 = tpu.memref_slice %arg2[%dma_start3A, %dma_start3A_3] : memref<100001x1024xf32, #tpu.memory_space<hbm>> -> memref<100001x1024xf32, #tpu.memory_space<hbm>>
    tpu.enqueue_indirect_dma source(%dma_start3A_4 : memref<100001x1024xf32, #tpu.memory_space<hbm>>) target(%arg6 : memref<64x1024xf32, #tpu.memory_space<vmem>>) offsets(%arg5 : memref<64xi32, #tpu.memory_space<vmem>>) semaphore(%arg7 : memref<!tpu.dma_semaphore, #tpu.memory_space<semaphore_mem>>)
    %dma_wait3A = arith.constant 0 : i32
    %dma_wait3A_5 = arith.constant 0 : i32
    %dma_wait3A_6 = tpu.memref_slice %arg2[%dma_wait3A, %dma_wait3A_5] : memref<100001x1024xf32, #tpu.memory_space<hbm>> -> memref<100001x1024xf32, #tpu.memory_space<hbm>>
    tpu.wait_indirect_dma semaphore(%arg7 : memref<!tpu.dma_semaphore, #tpu.memory_space<semaphore_mem>>) src(%dma_wait3A_6 : memref<100001x1024xf32, #tpu.memory_space<hbm>>) dst(%arg6 : memref<64x1024xf32, #tpu.memory_space<vmem>>)
    %add3A_7 = arith.constant 0 : i32
    %add3A_8 = arith.addi %mul3A_2, %add3A_7 : i32
    %dma_start3A_9 = arith.constant 0 : i32
    %dma_start3A_10 = tpu.memref_slice %arg4[%add3A_8, %dma_start3A_9] : memref<8192x1024xf32, #tpu.memory_space<hbm>> -> memref<64x1024xf32, #tpu.memory_space<hbm>>
    %dma_start3A_11 = arith.constant 0 : i32
    %dma_start3A_12 = tpu.memref_slice %arg4[%add3A_8, %dma_start3A_11] : memref<8192x1024xf32, #tpu.memory_space<hbm>> -> memref<64x1024xf32, #tpu.memory_space<hbm>>
    tpu.enqueue_dma source(%arg6 : memref<64x1024xf32, #tpu.memory_space<vmem>>) target(%dma_start3A_12 : memref<64x1024xf32, #tpu.memory_space<hbm>>) target_semaphore(%arg7 : memref<!tpu.dma_semaphore, #tpu.memory_space<semaphore_mem>>)
    %add3A_13 = arith.constant 64 : i32
    %add3A_14 = arith.addi %mul3A_2, %add3A_13 : i32
    %dma_start3A_15 = arith.constant 0 : i32
    %dma_start3A_16 = tpu.memref_slice %arg4[%add3A_14, %dma_start3A_15] : memref<8192x1024xf32, #tpu.memory_space<hbm>> -> memref<64x1024xf32, #tpu.memory_space<hbm>>
    %dma_start3A_17 = arith.constant 0 : i32
    %dma_start3A_18 = tpu.memref_slice %arg4[%add3A_14, %dma_start3A_17] : memref<8192x1024xf32, #tpu.memory_space<hbm>> -> memref<64x1024xf32, #tpu.memory_space<hbm>>
    tpu.enqueue_dma source(%arg6 : memref<64x1024xf32, #tpu.memory_space<vmem>>) target(%dma_start3A_18 : memref<64x1024xf32, #tpu.memory_space<hbm>>) target_semaphore(%arg7 : memref<!tpu.dma_semaphore, #tpu.memory_space<semaphore_mem>>)
    %add3A_19 = arith.constant 128 : i32
    %add3A_20 = arith.addi %mul3A_2, %add3A_19 : i32
    %dma_start3A_21 = arith.constant 0 : i32
    %dma_start3A_22 = tpu.memref_slice %arg4[%add3A_20, %dma_start3A_21] : memref<8192x1024xf32, #tpu.memory_space<hbm>> -> memref<64x1024xf32, #tpu.memory_space<hbm>>
    %dma_start3A_23 = arith.constant 0 : i32
    %dma_start3A_24 = tpu.memref_slice %arg4[%add3A_20, %dma_start3A_23] : memref<8192x1024xf32, #tpu.memory_space<hbm>> -> memref<64x1024xf32, #tpu.memory_space<hbm>>
    tpu.enqueue_dma source(%arg6 : memref<64x1024xf32, #tpu.memory_space<vmem>>) target(%dma_start3A_24 : memref<64x1024xf32, #tpu.memory_space<hbm>>) target_semaphore(%arg7 : memref<!tpu.dma_semaphore, #tpu.memory_space<semaphore_mem>>)
    %add3A_25 = arith.constant 192 : i32
    %add3A_26 = arith.addi %mul3A_2, %add3A_25 : i32
    %dma_start3A_27 = arith.constant 0 : i32
    %dma_start3A_28 = tpu.memref_slice %arg4[%add3A_26, %dma_start3A_27] : memref<8192x1024xf32, #tpu.memory_space<hbm>> -> memref<64x1024xf32, #tpu.memory_space<hbm>>
    %dma_start3A_29 = arith.constant 0 : i32
    %dma_start3A_30 = tpu.memref_slice %arg4[%add3A_26, %dma_start3A_29] : memref<8192x1024xf32, #tpu.memory_space<hbm>> -> memref<64x1024xf32, #tpu.memory_space<hbm>>
    tpu.enqueue_dma source(%arg6 : memref<64x1024xf32, #tpu.memory_space<vmem>>) target(%dma_start3A_30 : memref<64x1024xf32, #tpu.memory_space<hbm>>) target_semaphore(%arg7 : memref<!tpu.dma_semaphore, #tpu.memory_space<semaphore_mem>>)
    %dma_wait3A_31 = arith.constant 0 : i32
    %dma_wait3A_32 = tpu.memref_slice %arg4[%add3A_8, %dma_wait3A_31] : memref<8192x1024xf32, #tpu.memory_space<hbm>> -> memref<64x1024xf32, #tpu.memory_space<hbm>>
    %dma_wait3A_33 = arith.constant 0 : i32
    %dma_wait3A_34 = tpu.memref_slice %arg4[%add3A_8, %dma_wait3A_33] : memref<8192x1024xf32, #tpu.memory_space<hbm>> -> memref<64x1024xf32, #tpu.memory_space<hbm>>
    tpu.wait_dma2 semaphore(%arg7 : memref<!tpu.dma_semaphore, #tpu.memory_space<semaphore_mem>>) src(%arg6 : memref<64x1024xf32, #tpu.memory_space<vmem>>) dst(%dma_wait3A_34 : memref<64x1024xf32, #tpu.memory_space<hbm>>)
    %dma_wait3A_35 = arith.constant 0 : i32
    %dma_wait3A_36 = tpu.memref_slice %arg4[%add3A_14, %dma_wait3A_35] : memref<8192x1024xf32, #tpu.memory_space<hbm>> -> memref<64x1024xf32, #tpu.memory_space<hbm>>
    %dma_wait3A_37 = arith.constant 0 : i32
    %dma_wait3A_38 = tpu.memref_slice %arg4[%add3A_14, %dma_wait3A_37] : memref<8192x1024xf32, #tpu.memory_space<hbm>> -> memref<64x1024xf32, #tpu.memory_space<hbm>>
    tpu.wait_dma2 semaphore(%arg7 : memref<!tpu.dma_semaphore, #tpu.memory_space<semaphore_mem>>) src(%arg6 : memref<64x1024xf32, #tpu.memory_space<vmem>>) dst(%dma_wait3A_38 : memref<64x1024xf32, #tpu.memory_space<hbm>>)
    %dma_wait3A_39 = arith.constant 0 : i32
    %dma_wait3A_40 = tpu.memref_slice %arg4[%add3A_20, %dma_wait3A_39] : memref<8192x1024xf32, #tpu.memory_space<hbm>> -> memref<64x1024xf32, #tpu.memory_space<hbm>>
    %dma_wait3A_41 = arith.constant 0 : i32
    %dma_wait3A_42 = tpu.memref_slice %arg4[%add3A_20, %dma_wait3A_41] : memref<8192x1024xf32, #tpu.memory_space<hbm>> -> memref<64x1024xf32, #tpu.memory_space<hbm>>
    tpu.wait_dma2 semaphore(%arg7 : memref<!tpu.dma_semaphore, #tpu.memory_space<semaphore_mem>>) src(%arg6 : memref<64x1024xf32, #tpu.memory_space<vmem>>) dst(%dma_wait3A_42 : memref<64x1024xf32, #tpu.memory_space<hbm>>)
    %dma_wait3A_43 = arith.constant 0 : i32
    %dma_wait3A_44 = tpu.memref_slice %arg4[%add3A_26, %dma_wait3A_43] : memref<8192x1024xf32, #tpu.memory_space<hbm>> -> memref<64x1024xf32, #tpu.memory_space<hbm>>
    %dma_wait3A_45 = arith.constant 0 : i32
    %dma_wait3A_46 = tpu.memref_slice %arg4[%add3A_26, %dma_wait3A_45] : memref<8192x1024xf32, #tpu.memory_space<hbm>> -> memref<64x1024xf32, #tpu.memory_space<hbm>>
    tpu.wait_dma2 semaphore(%arg7 : memref<!tpu.dma_semaphore, #tpu.memory_space<semaphore_mem>>) src(%arg6 : memref<64x1024xf32, #tpu.memory_space<vmem>>) dst(%dma_wait3A_46 : memref<64x1024xf32, #tpu.memory_space<hbm>>)
    return
  }
}

</mosaic_0001>

<sc_bundles>
// kernel: kernel.3.cloned.1.call-start
scs
__scs_entry_jumppad:
0x0: {  	(pc) =	sbr.rel $0x88, $3  }
0x1: {  	(tag) =	ssettag $0x0;
	lr =	simm.s32 $0x1  }
0x2: {  	[smem:$0x3F9F] =	sst lr;
	_ =	strace $0xD0000000  }
0x3: {  	_ = 	snop  }
0x4: {  	_ = 	snop  }
0x5: {  	_ = 	snop  }
0x6: {  	_ = 	snop  }
0x7: {  	_ = 	snop  }
__scs_overlays_trampoline_lowered:
0x8: {  	[smem:$0x3FAE] =	sst s0  }
0x9: {  	[smem:$0x3FAF] =	sst s1  }
0xa: {  	[smem:$0x3FB0] =	sst s2  }
0xb: {  	[smem:$0x3FB1] =	sst s3  }
0xc: {  	[smem:$0x3FB2] =	sst s4  }
0xd: {  	[smem:$0x3FB3] =	sst s5  }
0xe: {  	[smem:$0x3FB4] =	sst s6  }
0xf: {  	[smem:$0x3FB5] =	sst s7  }
0x10: {  	[smem:$0x3FB6] =	sst s8  }
0x11: {  	[smem:$0x3FB7] =	sst s9;
	s0 =	simm.s32 @!p0 $0x0  }
0x12: {  	s1 =	sld [smem:$0x3F9D];
	s0 =	simm.s32 @p0 $0x1  }
0x13: {  	[smem:$0x3FB8] =	sst s0;
	s0 =	simm.s32 @!p1 $0x0  }
0x14: {  	s2 =	sld [smem:$0x3F9C];
	s0 =	simm.s32 @p1 $0x1  }
0x15: {  	[smem:$0x3FB9] =	sst s0;
	s0 =	simm.s32 @!p2 $0x0  }
0x16: {  	s3 =	sld [smem:$0x3FDB];
	s0 =	simm.s32 @p2 $0x1  }
0x17: {  	s4 =	simm.s32 $0x1BF5;
	[smem:$0x3FBB] =	sst s0  }
0x18: {  	s0 =	sld [smem:$0x3F9E];
	_ =	swait.ge [sflag:s4], $0x0  }
0x19: {  	s7 =	sld [smem:$0x3F9F]  }
0x1a: {  	s8 =	sadd.s32 $0xFFFFE003, lr  }
0x1b: {  	s9 =	sadd.s32 $0xFFFFFEF7, lr;
	s5 =	simm.s32 $0xFFFFFFFF;
	p2 =	slt.u32 s8, $0xFFFFF086  }
0x1c: {  	p1 =	slt.u32 s9, $0xF7A;
	s5 =	simm.s32 @!p2 $0x0  }
0x1d: {  	s5 =	simm.s32 @p1 $0x1;
	p0 =	seq.s32 s7, s2  }
0x1e: {  	s7 =	smul.u32 @!p0 $0xF7A, s2;
	p2 =	seq.s32 @!p0 s5, $0x0  }
0x1f: {  	s9 =	smul.u32 $0xF7A, s1;
	s8 =	simm.s32 @!p0 $0x1BF5;
	p2 =	por !p2, p0  }
0x20: {  	[sflag:s8] =	ssyncset.s32 @!p0 $0xFFFFF086;
	s6 =	sadd.s32 @!p0 s3, s7;
	s7 =	simm.s32 @!p0 $0x108  }
0x21: {  	s3 =	sadd.s32 s3, s9;
	s6 =	sadd.s32 @!p0 $0x88, s6;
	s7 =	simm.s32 @p2 $0x1082  }
0x22: {  	[simem:s7], [sflag:s8] =	dma.local @!p0 [hbm:s6], $0xF7A  }
0x23: {  	s9 =	sor.u32 $0xD0000000, s2;
	s6 =	simm.s32 $0x108;
	_ =	swait.ge @!p0 [sflag:s8], $0x0  }
0x24: {  	s3 =	sadd.s32 $0x88, s3;
	s6 =	simm.s32 @!p1 $0x1082;
	[sflag:s4] =	ssyncset.s32 $0xFFFFF086  }
0x25: {  	[simem:s6], [sflag:s4] =	dma.local [hbm:s3], $0xF7A  }
0x26: {  	[smem:$0x3F9F] =	sst s1;
	(tag) =	ssettag s2;
	_ =	strace s9  }
0x27: {  	s1 =	sld [smem:$0x3FAF]  }
0x28: {  	s2 =	sld [smem:$0x3FB0]  }
0x29: {  	s4 =	sld [smem:$0x3FB2]  }
0x2a: {  	p0 =	seq.s32 s5, $0x0;
	s5 =	sld [smem:$0x3FB3]  }
0x2b: {  	s6 =	sld [smem:$0x3FB4]  }
0x2c: {  	s7 =	sld [smem:$0x3FB5]  }
0x2d: {  	s3 =	simm.s32 $0x108;
	s8 =	sld [smem:$0x3FB6]  }
0x2e: {  	s3 =	simm.s32 @!p0 $0x1082;
	s9 =	sld [smem:$0x3FB7]  }
0x2f: {  	lr =	sadd.s32 s0, s3;
	s0 =	sld [smem:$0x3FAE]  }
0x30: {  	s3 =	sld [smem:$0x3FB1]  }
0x31: {  	[smem:$0x3FBA] =	sst s10  }
0x32: {  	s10 =	sld [smem:$0x3FB8];
	_ =	sdelay $0x3  }
0x33: {  	p0 =	seq.s32 s10, $0x1;
	s10 =	sld [smem:$0x3FBA];
	_ =	sdelay $0x3  }
0x34: {  	[smem:$0x3FBA] =	sst s10  }
0x35: {  	s10 =	sld [smem:$0x3FB9];
	_ =	sdelay $0x3  }
0x36: {  	p1 =	seq.s32 s10, $0x1;
	s10 =	sld [smem:$0x3FBA];
	_ =	sdelay $0x3  }
0x37: {  	[smem:$0x3FBA] =	sst s10  }
0x38: {  	s10 =	sld [smem:$0x3FBB]  }
0x39: {  	_ = 	snop;
	(pc) =	sbr.ind lr, $3  }
0x3a: {  	_ = 	snop  }
0x3b: {  	_ = 	snop  }
0x3c: {  	p2 =	seq.s32 s10, $0x1;
	s10 =	sld [smem:$0x3FBA]  }
0x3d: {  	_ =	shalt  }
0x3e: {  	_ =	shalt  }
0x3f: {  	_ =	shalt  }
0x40: {  	_ =	shalt  }
0x41: {  	_ =	shalt  }
0x42: {  	_ =	shalt  }
0x43: {  	_ =	shalt  }
0x44: {  	_ =	shalt  }
0x45: {  	_ =	shalt  }
0x46: {  	_ =	shalt  }
0x47: {  	_ =	shalt  }
0x48: {  	_ =	shalt  }
0x49: {  	_ =	shalt  }
0x4a: {  	_ =	shalt  }
0x4b: {  	_ =	shalt  }
0x4c: {  	_ =	shalt  }
0x4d: {  	_ =	shalt  }
0x4e: {  	_ =	shalt  }
0x4f: {  	_ =	shalt  }
0x50: {  	_ =	shalt  }
0x51: {  	_ =	shalt  }
0x52: {  	_ =	shalt  }
0x53: {  	_ =	shalt  }
0x54: {  	_ =	shalt  }
0x55: {  	_ =	shalt  }
0x56: {  	_ =	shalt  }
0x57: {  	_ =	shalt  }
0x58: {  	_ =	shalt  }
0x59: {  	_ =	shalt  }
0x5a: {  	_ =	shalt  }
0x5b: {  	_ =	shalt  }
0x5c: {  	_ =	shalt  }
0x5d: {  	_ =	shalt  }
0x5e: {  	_ =	shalt  }
0x5f: {  	_ =	shalt  }
0x60: {  	_ =	shalt  }
0x61: {  	_ =	shalt  }
0x62: {  	_ =	shalt  }
0x63: {  	_ =	shalt  }
0x64: {  	_ =	shalt  }
0x65: {  	_ =	shalt  }
0x66: {  	_ =	shalt  }
0x67: {  	_ =	shalt  }
0x68: {  	_ =	shalt  }
0x69: {  	_ =	shalt  }
0x6a: {  	_ =	shalt  }
0x6b: {  	_ =	shalt  }
0x6c: {  	_ =	shalt  }
0x6d: {  	_ =	shalt  }
0x6e: {  	_ =	shalt  }
0x6f: {  	_ =	shalt  }
0x70: {  	_ =	shalt  }
0x71: {  	_ =	shalt  }
0x72: {  	_ =	shalt  }
0x73: {  	_ =	shalt  }
0x74: {  	_ =	shalt  }
0x75: {  	_ =	shalt  }
0x76: {  	_ =	shalt  }
0x77: {  	_ =	shalt  }
0x78: {  	_ =	shalt  }
0x79: {  	_ =	shalt  }
0x7a: {  	_ =	shalt  }
0x7b: {  	_ =	shalt  }
0x7c: {  	_ =	shalt  }
0x7d: {  	_ =	shalt  }
0x7e: {  	_ =	shalt  }
0x7f: {  	_ =	shalt  }
0x80: {  	_ =	shalt  }
0x81: {  	_ =	shalt  }
0x82: {  	_ =	shalt  }
0x83: {  	_ =	shalt  }
0x84: {  	_ =	shalt  }
0x85: {  	_ =	shalt  }
0x86: {  	_ =	shalt  }
0x87: {  	_ =	shalt  }
.Lfunc_end0:
.L_simem_size_0:
called_computation_lowered:
.L_overlay_start_0:
0x88: {  	s2 =	sld [smem:$0x3FD9]  }
0x89: {  	s3 =	sld [smem:$0x3FFE];
	_ =	sdelay $0x1  }
0x8a: {  	s1 =	srdreg.scid  }
0x8b: {  	s0 =	sand.u32 $0x1, s1  }
0x8c: {  	s17 =	sshll.u32 s0, $0xA;
	s2 =	sadd.s32 s3, s2  }
0x8d: {  	s2 =	sadd.s32 s2, s17  }
0x8e: {  	[smem:$0x3FC6] =	sst s2  }
0x8f: {  	_ = 	snop  }
0x90: {  	s2 =	sld [smem:$0x3FC8]  }
0x91: {  	s18 =	sld [smem:$0x3FD0];
	(tm) =	ssettm $0x1  }
0x92: {  	s4 =	sld [smem:$0x3FFB];
	_ =	sdelay $0x3  }
0x93: {  	_ =	strace s4  }
0x94: {  	s4 =	sld [smem:$0x3FFC];
	_ =	sdelay $0x3  }
0x95: {  	_ =	strace s4  }
0x96: {  	s4 =	sld [smem:$0x3FFD];
	_ =	sdelay $0x3  }
0x97: {  	_ =	strace s4  }
0x98: {  	_ =	strace $0x8FFFFFFF  }
0x99: {  	s19 =	sld [smem:$0x3FDB];
	_ =	sdelay $0x1  }
0x9a: {  	s5 =	simm.s32 $_scs_section_size  }
0x9b: {  	s6 =	simm.s32 $_size__tile_overlayer_lowered;
	s7 =	simm.s32 $_tile_overlayer_lowered  }
0x9c: {  	s22 =	simm.s32 $0x1BFF;
	s21 =	sshll.u32 s7, $0x1;
	s4 =	sadd.s32 s5, s19  }
0x9d: {  	s8 =	simm.s32 $0x0;
	s20 =	sshll.u32 s6, $0x1;
	s6 =	sadd.s32 s21, s4  }
0x9e: {  	[timem:s8], [sflag:s22] =	dma.local [hbm:s6], s20  }
0x9f: {  	_ =	swait.ge [sflag:s22], s20  }
0xa0: {  	s5 =	ssub.s32 $0x0, s20;
	[sflag:s22] =	ssyncset.done $0x0  }
0xa1: {  	[sflag:s22] =	ssyncadd.s32 s5;
	_ =	sdelay $0x1  }
0xa2: {  	s23 =	simm.s32 $0x1B8B  }
0xa3: {  	_ =	swait.ge [sflag:s23], $0x1  }
0xa4: {  	[sflag:s23] =	ssyncset.done $0x0  }
0xa5: {  	s25 =	simm.s32 $0x1B8E;
	s24 =	sld [smem:$0x3FFE];
	[sflag:s23] =	ssyncadd.s32 $0xFFFFFFFF  }
0xa6: {  	s26 =	simm.s32 $execute0_lowered;
	[smem:$0x3FD2] =	sst s25  }
0xa7: {  	s6 =	sshll.u32 s26, $0x1;
	_ =	strace $0x80000046;
	[dreg:$0x1] =	wrdreg $0xFFFFFFFF  }
0xa8: {  	s28 =	simm.s32 $_size_execute0_lowered;
	s4 =	sadd.s32 s4, s6;
	[dreg:$0x0] =	wrdreg $0x0  }
0xa9: {  	s6 =	sshll.u32 s28, $0x1;
	[dreg:$0x2] =	wrdreg s4  }
0xaa: {  	[dreg:$0x3] =	wrdreg s6  }
0xab: {  	[dreg:$0x4] =	wrdreg $0xC0  }
0xac: {  	_ =	task [dreg:s8], $0x5FFFF  }
0xad: {  	[dreg:$0x1] =	wrdreg $0xFFFFFFFF  }
0xae: {  	[dreg:$0x0] =	wrdreg $0x60  }
0xaf: {  	[dreg:$0x2] =	wrdreg s2  }
0xb0: {  	[dreg:$0x3] =	wrdreg s24  }
0xb1: {  	[dreg:$0x4] =	wrdreg s18  }
0xb2: {  	[dreg:$0x5] =	wrdreg $0x9  }
0xb3: {  	_ =	task.clear_ibuf [dreg:s8], $0x6FFFF;
	_ =	strace $0x90000046  }
0xb4: {  	s29 =	simm.s32 $0x9;
	_ =	strace $0x80000048  }
0xb5: {  	_ =	swait.ge [sflag:s29], $0x1  }
0xb6: {  	[sflag:s29] =	ssyncadd.s32 $0xFFFFFFFF  }
0xb7: {  	_ =	strace $0x90000048  }
0xb8: {  	_ =	sfence  }
0xb9: {  	s30 =	sld [smem:$0x0];
	_ =	sdelay $0x2  }
0xba: {  	s31 =	sshll.u32 s1, $0xD;
	s1 =	sshrl.u32 s1, $0x2  }
0xbb: {  	s3 =	sand.u32 $0x4000, s31;
	s1 =	sadd.s32 s1, s30  }
0xbc: {  	s0 =	sor.u32 s3, s0;
	s1 =	sshll.u32 s1, $0x11  }
0xbd: {  	s0 =	sor.u32 s1, s0  }
0xbe: {  	s0 =	sadd.s32 $0x8F2B, s0  }
0xbf: {  	[sflag:s0] =	ssyncadd.remote.s32 $0x1  }
0xc0: {  	_ =	sfence.sel $0xFFFF  }
0xc1: {  	[dreg:$0x0] =	wrdreg $0xFFFFFFFF;
	(pc) =	sbr.abs _section_cstart, $3  }
0xc2: {  	[dreg:$0x1] =	wrdreg $0xFFFFFFFF  }
0xc3: {  	_ =	task.clear_ibuf [dreg:s8], $0x2FFFF;
	_ =	strace $0x9FFFFFFF  }
0xc4: {  	(tm) =	ssettm $0x7FFFFFFF  }
0xc5: {  	_ =	shalt  }
tec
execute0_lowered:
.L_overlay_start_1:
0x0: {  	(tag) =	ssettag $0x1  }
0x1: {  	s1 =	rddreg [dreg:$0x0]  }
0x2: {  	s0 =	rddreg [dreg:$0x1];
	s3 =	srdreg.scid  }
0x3: {  	s4 =	rddreg [dreg:$0x2];
	s5 =	sand.u32 $0x1, s3;
	s3 =	simm.s32 $0x0  }
0x4: {  	s2 =	stileid.u32;
	s0 =	sadd.s32 $0x400, s0;
	[smem:$0x7FF] =	sst s3  }
0x5: {  	s15 =	simm.s32 $0x880;
	_ =	strace $0x80000047;
	[dreg:$0x4] =	wrdreg s0  }
0x6: {  	s16 =	simm.s32 $0x1080;
	s17 =	simm.s32 $0x1880;
	[dreg:$0x8] =	wrdreg s15  }
0x7: {  	s18 =	simm.s32 $0x2080;
	s19 =	simm.s32 $0x2880;
	[dreg:$0x9] =	wrdreg s16  }
0x8: {  	s21 =	simm.s32 $0x3080;
	s22 =	simm.s32 $0x3880;
	[dreg:$0xa] =	wrdreg s17  }
0x9: {  	s23 =	simm.s32 $0x4080;
	s24 =	simm.s32 $0x4880;
	[dreg:$0xb] =	wrdreg s18  }
0xa: {  	s25 =	simm.s32 $0x5080;
	s26 =	simm.s32 $0x5880;
	[dreg:$0xc] =	wrdreg s19  }
0xb: {  	s9 =	simm.s32 $0x2;
	s10 =	simm.s32 $0x80;
	[dreg:$0xd] =	wrdreg s21  }
0xc: {  	s28 =	simm.s32 $0xE080;
	s29 =	simm.s32 $0xE880;
	[dreg:$0xe] =	wrdreg s22  }
0xd: {  	s30 =	simm.s32 $0xF080;
	s31 =	simm.s32 $0xF880;
	[dreg:$0xf] =	wrdreg s23  }
0xe: {  	s6 =	sshll.u32 s2, $0x10;
	s7 =	sshll.u32 s5, $0xF;
	[dreg:$0x10] =	wrdreg s24  }
0xf: {  	s5 =	ssub.s32 $0x2, s5;
	s6 =	sor.u32 s7, s6;
	[dreg:$0x11] =	wrdreg s25  }
0x10: {  	s20 =	sshrl.u32 s5, $0x1;
	s7 =	sadd.s32 $0x300, s1;
	[dreg:$0x12] =	wrdreg s26  }
0x11: {  	s15 =	simm.s32 $0x8080;
	s16 =	simm.s32 $0x8880;
	s17 =	simm.s32 $0x9080  }
0x12: {  	s18 =	simm.s32 $0x9880;
	s19 =	simm.s32 $0xA080;
	s21 =	simm.s32 $0xB080  }
0x13: {  	s22 =	simm.s32 $0xB880;
	s23 =	simm.s32 $0xC080;
	s24 =	simm.s32 $0xC880  }
0x14: {  	s25 =	simm.s32 $0xD080;
	s26 =	simm.s32 $0xD880;
	s4 =	sadd.s32 s4, s6  }
0x15: {  	s0 =	simm.s32 $0x1;
	s8 =	ssub.s32 s5, s20;
	s12 =	sadd.s32 $0x2000, s4  }
0x16: {  	s5 =	sadd.s32 $0x100, s1;
	s13 =	sadd.s32 $0x4000, s4;
	[dreg:$0x5] =	wrdreg s12  }
0x17: {  	v2 =	vlaneseq.u32;
	s6 =	sadd.s32 $0x200, s1;
	s14 =	sadd.s32 $0x6000, s4;
	[dreg:$0x6] =	wrdreg s13  }
0x18: {  	vm0 =	vmmov $0xffff;
	v1 =	vshrl.u32 v2, $0x3;
	s20 =	simm.s32 $0xA880;
	s8 =	smax.u32 s8, $0x1;
	[dreg:$0x7] =	wrdreg s14  }
0x19: {  	v0 =	vand.u32 $0x7, v2;
	v2 =	vor.u32 $0x8, v2;
	v1 =	vmul.u32 $0x8, v1;
	s12 =	simm.s32 $0x6880;
	s13 =	simm.s32 $0x7080;
	s14 =	simm.s32 $0x7880  }
.LBB2_1:
0x1a: {  	s2 =	rddreg [dreg:$0x4]  }
0x1b: {  	[tilespmem:s3], [sflag:$0x2] =	stream.linear.gather [hbm4b:s2+s3], $0x80, $0x38;
	[tilespmem:$0x10080] =	vst v63  }
0x1c: {  	_ =	swait.ge [sflag:s9], $0x80  }
0x1d: {  	[sflag:s9] =	ssyncset.done $0x0  }
0x1e: {  	[sflag:s9] =	ssyncadd.s32 $0xFFFFFF80  }
0x1f: {  	v3 =	vld [tilespmem:$0x0];
	_ =	sdelay $0x4  }
0x20: {  	v4 =	vshll.u32 v3, $0x3  }
0x21: {  	v3 =	vand.u32 $0x7, v3;
	v4 =	vand.u32 $0xFFFFFFC0, v4  }
0x22: {  	v3 =	vor.u32 v3, v4  }
0x23: {  	v4 =	vperm.xlane v3, v0;
	_ =	sdelay $0x1  }
0x24: {  	v4 =	vadd.s32 v1, v4;
	_ =	sdelay $0x4  }
0x25: {  	[tilespmem:s10], [sflag:$0x1] =	stream.indirect_vreg.gather [hbm4b:s1+s3], $0x80, v4, vm0, $0xb8;
	[tilespmem:$0x10080] =	vst v63  }
0x26: {  	s2 =	rddreg [dreg:$0x8];
	v3 =	vperm.xlane v3, v2  }
0x27: {  	[tilespmem:s2], [sflag:$0x1] =	stream.indirect_vreg.gather [hbm4b:s5+s3], $0x80, v4, vm0, $0xb8;
	[tilespmem:$0x10080] =	vst v63  }
0x28: {  	s11 =	rddreg [dreg:$0x9];
	v3 =	vadd.s32 v1, v3  }
0x29: {  	[tilespmem:s11], [sflag:$0x1] =	stream.indirect_vreg.gather [hbm4b:s6+s3], $0x80, v4, vm0, $0xb8;
	[tilespmem:$0x10080] =	vst v63  }
0x2a: {  	s2 =	rddreg [dreg:$0xa]  }
0x2b: {  	[tilespmem:s2], [sflag:$0x1] =	stream.indirect_vreg.gather [hbm4b:s7+s3], $0x80, v4, vm0, $0xb8;
	[tilespmem:$0x10080] =	vst v63  }
0x2c: {  	s11 =	rddreg [dreg:$0xb]  }
0x2d: {  	[tilespmem:s11], [sflag:$0x1] =	stream.indirect_vreg.gather [hbm4b:s1+s3], $0x80, v3, vm0, $0xb8;
	[tilespmem:$0x10080] =	vst v63  }
0x2e: {  	s2 =	rddreg [dreg:$0xc]  }
0x2f: {  	[tilespmem:s2], [sflag:$0x1] =	stream.indirect_vreg.gather [hbm4b:s5+s3], $0x80, v3, vm0, $0xb8;
	[tilespmem:$0x10080] =	vst v63  }
0x30: {  	s11 =	rddreg [dreg:$0xd]  }
0x31: {  	[tilespmem:s11], [sflag:$0x1] =	stream.indirect_vreg.gather [hbm4b:s6+s3], $0x80, v3, vm0, $0xb8;
	[tilespmem:$0x10080] =	vst v63  }
0x32: {  	s2 =	rddreg [dreg:$0xe]  }
0x33: {  	[tilespmem:s2], [sflag:$0x1] =	stream.indirect_vreg.gather [hbm4b:s7+s3], $0x80, v3, vm0, $0xb8;
	[tilespmem:$0x10080] =	vst v63  }
0x34: {  	v3 =	vld [tilespmem:$0x10];
	_ =	sdelay $0x4  }
0x35: {  	v61 =	vshll.u32 v3, $0x3  }
0x36: {  	v3 =	vand.u32 $0x7, v3;
	v4 =	vand.u32 $0xFFFFFFC0, v61  }
0x37: {  	v3 =	vor.u32 v3, v4  }
0x38: {  	v4 =	vperm.xlane v3, v0;
	_ =	sdelay $0x1  }
0x39: {  	v4 =	vadd.s32 v1, v4;
	_ =	sdelay $0x3  }
0x3a: {  	s2 =	rddreg [dreg:$0xf]  }
0x3b: {  	[tilespmem:s2], [sflag:$0x1] =	stream.indirect_vreg.gather [hbm4b:s1+s3], $0x80, v4, vm0, $0xb8;
	[tilespmem:$0x10080] =	vst v63  }
0x3c: {  	s11 =	rddreg [dreg:$0x10];
	v3 =	vperm.xlane v3, v2  }
0x3d: {  	[tilespmem:s11], [sflag:$0x1] =	stream.indirect_vreg.gather [hbm4b:s5+s3], $0x80, v4, vm0, $0xb8;
	[tilespmem:$0x10080] =	vst v63  }
0x3e: {  	v3 =	vadd.s32 v1, v3;
	s2 =	rddreg [dreg:$0x11]  }
0x3f: {  	[tilespmem:s2], [sflag:$0x1] =	stream.indirect_vreg.gather [hbm4b:s6+s3], $0x80, v4, vm0, $0xb8;
	[tilespmem:$0x10080] =	vst v63  }
0x40: {  	s11 =	rddreg [dreg:$0x12]  }
0x41: {  	[tilespmem:s11], [sflag:$0x1] =	stream.indirect_vreg.gather [hbm4b:s7+s3], $0x80, v4, vm0, $0xb8;
	[tilespmem:$0x10080] =	vst v63  }
0x42: {  	s11 =	simm.s32 $0x6080  }
0x43: {  	[tilespmem:s11], [sflag:$0x1] =	stream.indirect_vreg.gather [hbm4b:s1+s3], $0x80, v3, vm0, $0xb8;
	[tilespmem:$0x10080] =	vst v63  }
0x44: {  	_ = 	snop  }
0x45: {  	[tilespmem:s12], [sflag:$0x1] =	stream.indirect_vreg.gather [hbm4b:s5+s3], $0x80, v3, vm0, $0xb8;
	[tilespmem:$0x10080] =	vst v63  }
0x46: {  	_ = 	snop  }
0x47: {  	[tilespmem:s13], [sflag:$0x1] =	stream.indirect_vreg.gather [hbm4b:s6+s3], $0x80, v3, vm0, $0xb8;
	[tilespmem:$0x10080] =	vst v63  }
0x48: {  	_ = 	snop  }
0x49: {  	[tilespmem:s14], [sflag:$0x1] =	stream.indirect_vreg.gather [hbm4b:s7+s3], $0x80, v3, vm0, $0xb8;
	[tilespmem:$0x10080] =	vst v63  }
0x4a: {  	v3 =	vld [tilespmem:$0x20];
	_ =	sdelay $0x4  }
0x4b: {  	v62 =	vshll.u32 v3, $0x3  }
0x4c: {  	v3 =	vand.u32 $0x7, v3;
	v4 =	vand.u32 $0xFFFFFFC0, v62  }
0x4d: {  	v3 =	vor.u32 v3, v4  }
0x4e: {  	v4 =	vperm.xlane v3, v0;
	_ =	sdelay $0x1  }
0x4f: {  	v4 =	vadd.s32 v1, v4;
	_ =	sdelay $0x4  }
0x50: {  	[tilespmem:s15], [sflag:$0x1] =	stream.indirect_vreg.gather [hbm4b:s1+s3], $0x80, v4, vm0, $0xb8;
	[tilespmem:$0x10080] =	vst v63  }
0x51: {  	v3 =	vperm.xlane v3, v2  }
0x52: {  	[tilespmem:s16], [sflag:$0x1] =	stream.indirect_vreg.gather [hbm4b:s5+s3], $0x80, v4, vm0, $0xb8;
	[tilespmem:$0x10080] =	vst v63  }
0x53: {  	v3 =	vadd.s32 v1, v3  }
0x54: {  	[tilespmem:s17], [sflag:$0x1] =	stream.indirect_vreg.gather [hbm4b:s6+s3], $0x80, v4, vm0, $0xb8;
	[tilespmem:$0x10080] =	vst v63  }
0x55: {  	_ = 	snop  }
0x56: {  	[tilespmem:s18], [sflag:$0x1] =	stream.indirect_vreg.gather [hbm4b:s7+s3], $0x80, v4, vm0, $0xb8;
	[tilespmem:$0x10080] =	vst v63  }
0x57: {  	_ = 	snop  }
0x58: {  	[tilespmem:s19], [sflag:$0x1] =	stream.indirect_vreg.gather [hbm4b:s1+s3], $0x80, v3, vm0, $0xb8;
	[tilespmem:$0x10080] =	vst v63  }
0x59: {  	_ = 	snop  }
0x5a: {  	[tilespmem:s20], [sflag:$0x1] =	stream.indirect_vreg.gather [hbm4b:s5+s3], $0x80, v3, vm0, $0xb8;
	[tilespmem:$0x10080] =	vst v63  }
0x5b: {  	_ = 	snop  }
0x5c: {  	[tilespmem:s21], [sflag:$0x1] =	stream.indirect_vreg.gather [hbm4b:s6+s3], $0x80, v3, vm0, $0xb8;
	[tilespmem:$0x10080] =	vst v63  }
0x5d: {  	_ = 	snop  }
0x5e: {  	[tilespmem:s22], [sflag:$0x1] =	stream.indirect_vreg.gather [hbm4b:s7+s3], $0x80, v3, vm0, $0xb8;
	[tilespmem:$0x10080] =	vst v63  }
0x5f: {  	v3 =	vld [tilespmem:$0x30];
	_ =	sdelay $0x4  }
0x60: {  	v63 =	vshll.u32 v3, $0x3  }
0x61: {  	v3 =	vand.u32 $0x7, v3;
	v4 =	vand.u32 $0xFFFFFFC0, v63  }
0x62: {  	v3 =	vor.u32 v3, v4  }
0x63: {  	v4 =	vperm.xlane v3, v0;
	_ =	sdelay $0x1  }
0x64: {  	v4 =	vadd.s32 v1, v4;
	_ =	sdelay $0x4  }
0x65: {  	[tilespmem:s23], [sflag:$0x1] =	stream.indirect_vreg.gather [hbm4b:s1+s3], $0x80, v4, vm0, $0xb8;
	[tilespmem:$0x10080] =	vst v63  }
0x66: {  	v3 =	vperm.xlane v3, v2  }
0x67: {  	[tilespmem:s24], [sflag:$0x1] =	stream.indirect_vreg.gather [hbm4b:s5+s3], $0x80, v4, vm0, $0xb8;
	[tilespmem:$0x10080] =	vst v63  }
0x68: {  	v3 =	vadd.s32 v1, v3  }
0x69: {  	[tilespmem:s25], [sflag:$0x1] =	stream.indirect_vreg.gather [hbm4b:s6+s3], $0x80, v4, vm0, $0xb8;
	[tilespmem:$0x10080] =	vst v63  }
0x6a: {  	_ = 	snop  }
0x6b: {  	[tilespmem:s26], [sflag:$0x1] =	stream.indirect_vreg.gather [hbm4b:s7+s3], $0x80, v4, vm0, $0xb8;
	[tilespmem:$0x10080] =	vst v63  }
0x6c: {  	_ = 	snop  }
0x6d: {  	[tilespmem:s28], [sflag:$0x1] =	stream.indirect_vreg.gather [hbm4b:s1+s3], $0x80, v3, vm0, $0xb8;
	[tilespmem:$0x10080] =	vst v63  }
0x6e: {  	_ = 	snop  }
0x6f: {  	[tilespmem:s29], [sflag:$0x1] =	stream.indirect_vreg.gather [hbm4b:s5+s3], $0x80, v3, vm0, $0xb8;
	[tilespmem:$0x10080] =	vst v63  }
0x70: {  	_ = 	snop  }
0x71: {  	[tilespmem:s30], [sflag:$0x1] =	stream.indirect_vreg.gather [hbm4b:s6+s3], $0x80, v3, vm0, $0xb8;
	[tilespmem:$0x10080] =	vst v63  }
0x72: {  	_ = 	snop  }
0x73: {  	[tilespmem:s31], [sflag:$0x1] =	stream.indirect_vreg.gather [hbm4b:s7+s3], $0x80, v3, vm0, $0xb8;
	[tilespmem:$0x10080] =	vst v63  }
0x74: {  	_ =	swait.ge [sflag:s0], $0x10000  }
0x75: {  	[sflag:s0] =	ssyncset.done $0x0  }
0x76: {  	[sflag:s0] =	ssyncadd.s32 $0xFFFF0000  }
0x77: {  	[hbm4b:s4+s3] =	stream.linear.scatter [tilespmem:s10], [sflag:$0x1], $0x10000, $0x38;
	[tilespmem:$0x10080] =	vst v63  }
0x78: {  	s2 =	rddreg [dreg:$0x5]  }
0x79: {  	[hbm4b:s2+s3] =	stream.linear.scatter [tilespmem:s10], [sflag:$0x1], $0x10000, $0x38;
	[tilespmem:$0x10080] =	vst v63  }
0x7a: {  	s11 =	rddreg [dreg:$0x6]  }
0x7b: {  	[hbm4b:s11+s3] =	stream.linear.scatter [tilespmem:s10], [sflag:$0x1], $0x10000, $0x38;
	[tilespmem:$0x10080] =	vst v63  }
0x7c: {  	s2 =	rddreg [dreg:$0x7]  }
0x7d: {  	[hbm4b:s2+s3] =	stream.linear.scatter [tilespmem:s10], [sflag:$0x1], $0x10000, $0x38;
	[tilespmem:$0x10080] =	vst v63  }
0x7e: {  	_ =	swait.ge [sflag:s0], $0x10000  }
0x7f: {  	[sflag:s0] =	ssyncset.done $0x0  }
0x80: {  	[sflag:s0] =	ssyncadd.s32 $0xFFFF0000  }
0x81: {  	_ =	swait.ge [sflag:s0], $0x10000  }
0x82: {  	[sflag:s0] =	ssyncset.done $0x0  }
0x83: {  	[sflag:s0] =	ssyncadd.s32 $0xFFFF0000  }
0x84: {  	p0 =	sne.s32 s8, $0x1;
	_ =	swait.ge [sflag:s0], $0x10000  }
.Ltmp0:
0x85: {  	[sflag:s0] =	ssyncset.done $0x0;
	(pc) =	sbr.rel @p0 .LBB2_1-.Ltmp0, $4  }
0x86: {  	[sflag:s0] =	ssyncadd.s32 $0xFFFF0000  }
0x87: {  	_ =	swait.ge [sflag:s0], $0x10000  }
0x88: {  	[sflag:s0] =	ssyncset.done $0x0  }
0x89: {  	s8 =	sadd.s32 $0xFFFFFFFF, s8;
	[sflag:s0] =	ssyncadd.s32 $0xFFFF0000  }
0x8a: {  	_ =	sfence.sel $0x180000  }
0x8b: {  	[bflag:$0x0] =	sbarrier.arrive $0xFFFF  }
0x8c: {  	_ =	strace $0x90000047  }
0x8d: {  	s0 =	stileid.u32;
	[bflag:$0x2] =	sbarrier.arrive $0xFFFF  }
0x8e: {  	p0 =	sne.s32 s0, $0x0;
	s0 =	rddreg [dreg:$0x3]  }
0x8f: {  	s0 =	sadd.s32 @!p0 $0x100000, s0  }
0x90: {  	[sflag:s0] =	ssyncadd.tile.s32 @!p0 $0x1;
	_ =	shalt  }
.Lfunc_end2:
_tile_overlayer_lowered:
.L_overlay_start_2:
0x91: {  	(tag) =	ssettag $0x2  }
0x92: {  	s0 =	rddreg [dreg:$0x0];
	s2 =	stileid.u32  }
0x93: {  	s1 =	rddreg [dreg:$0x1];
	p0 =	sne.s32 s2, $0x0  }
0x94: {  	s3 =	rddreg [dreg:$0x2];
	[bflag:$0x3] =	sbarrier.arrive $0xFFFF;
	s2 =	simm.s32 @!p0 $0x1C02  }
0x95: {  	[timem:s3], [sflag:s2] =	dma.local @!p0 [hbm:s0], s1  }
0x96: {  	s0 =	simm.s32 @!p0 $0x2  }
0x97: {  	_ =	swait.ge @!p0 [sflag:s0], s1  }
0x98: {  	s1 =	ssub.s32 @!p0 $0x0, s1;
	[sflag:s0] =	ssyncset.done @!p0 $0x0  }
0x99: {  	[sflag:s0] =	ssyncadd.s32 @!p0 s1  }
0x9a: {  	[bflag:$0x3] =	sbarrier.arrive $0xFFFF  }
0x9b: {  	_ =	shalt  }

</sc_bundles>
